<compile_context>
chip_gen: v7x
topology: tpu7x:2x2x1
jax: 0.10.2.dev20260603
libtpu: 0.0.44.dev20260713+nightly
codegen_flags: <defaults>
</compile_context>

<pallas_src>
import functools

import jax
import jax.numpy as jnp
from jax import lax
from jax.experimental import pallas as pl
from jax.experimental.pallas import tpu as pltpu
from jax.experimental.pallas import tpu_sc as plsc




def _argmax_body(att_ref, idx_ref, *, t_in):
    b_dim = att_ref.shape[0]
    tf = jnp.float32(t_in)
    shape2 = att_ref.shape[1:]
    fi = tf - lax.broadcasted_iota(jnp.int32, shape2, 1).astype(jnp.float32)
    for b in range(b_dim):
        a = att_ref[b]
        m = jnp.max(a, axis=1, keepdims=True)
        cand = jnp.where(a == m, fi, jnp.float32(0.0))
        r = jnp.max(cand, axis=1)
        idx_ref[b] = (tf - r).astype(jnp.int32) + jnp.int32(b * t_in)


def _argmax_global(att, t_chunk):
    b_dim, t_out, t_in = att.shape
    grid = (t_out // t_chunk,)
    return pl.pallas_call(
        functools.partial(_argmax_body, t_in=t_in),
        grid=grid,
        in_specs=[
            pl.BlockSpec((b_dim, t_chunk, t_in), lambda i: (0, i, 0)),
        ],
        out_specs=pl.BlockSpec((b_dim, t_chunk), lambda i: (0, i)),
        out_shape=jax.ShapeDtypeStruct((b_dim, t_out), jnp.int32),
    )(att)




def _make_sc_gather(n_rows, d, nc, ns):
    nw = nc * ns
    rows_per_w = n_rows // nw
    chunk = 128
    k_steps = rows_per_w // chunk
    mesh = plsc.VectorSubcoreMesh(core_axis_name="c", subcore_axis_name="s")

    @functools.partial(
        pl.kernel,
        mesh=mesh,
        out_type=jax.ShapeDtypeStruct((n_rows, d), jnp.float32),
        scratch_types=[
            pltpu.VMEM((k_steps, chunk), jnp.int32),
            pltpu.VMEM((rows_per_w, d), jnp.float32),
            pltpu.SemaphoreType.DMA,
        ],
    )
    def gather(y_hbm, idx_hbm, out_hbm, idx_v, rows_v, sem):
        wid = lax.axis_index("s") * nc + lax.axis_index("c")
        base = wid * rows_per_w
        pltpu.sync_copy(idx_hbm.at[pl.ds(wid * k_steps, k_steps)], idx_v)
        copies = []
        for k in range(k_steps):
            copies.append(
                pltpu.async_copy(
                    y_hbm.at[idx_v.at[k]],
                    rows_v.at[pl.ds(k * chunk, chunk)],
                    sem,
                )
            )
        for c in copies:
            c.wait()
        pltpu.sync_copy(rows_v, out_hbm.at[pl.ds(base, rows_per_w)])

    return gather




def kernel(y, att):
    b_dim, t_out, t_in = att.shape
    d = y.shape[2]
    n_rows = b_dim * t_out

    idx = _argmax_global(att, t_chunk=128)

    info = plsc.get_sparse_core_info()
    nc, ns = info.num_cores, info.num_subcores
    nw = nc * ns
    k_steps = (n_rows // nw) // 128

    y_flat = y.reshape(n_rows, d)
    idx_2d = idx.reshape(nw * k_steps, 128)
    out_flat = _make_sc_gather(n_rows, d, nc, ns)(y_flat, idx_2d)
    return out_flat.reshape(b_dim, t_out, d)

# --- scband reference (transcript-rebuilt; emitter-appended) ---
"""Pipeline reference for scband-apply-hard-attention-1580547970403 (READ-ONLY COPY).

The authoritative reference and input builder live on the scoring server;
editing this copy changes nothing except your own understanding.
"""

import jax, jax.numpy as jnp
import numpy as np


def setup_inputs(seed: int = 0) -> dict:
    key = jax.random.key(seed)
    k1, k2 = jax.random.split(key)
    y = jax.random.normal(k1, (8, 2048, 128), dtype=jnp.float32)
    att = jax.random.normal(k2, (8, 2048, 2048), dtype=jnp.float32)
    return {"y": y, "att": att}


def reference(y, att):
    # idx = att.argmax(2) -> [B, T_out]
    idx = jnp.argmax(att, axis=2)
    # y[arange(B)[:, None], idx] -> gather along time axis of y
    out = jnp.take_along_axis(y, idx[:, :, None], axis=1)
    return out

if __name__ == "__main__":
    import jax
    _d = setup_inputs()
    print(jax.jit(kernel)(*tuple(_d.values())))

</pallas_src>

<mosaic_0001>
#map = affine_map<(d0, d1) -> (0, 0)>
module attributes {stable_mosaic.version = 14 : i64} {
  func.func @gather(%arg0: i32, %arg1: i32, %arg2: memref<16384x128xf32, #tpu.memory_space<hbm>>, %arg3: memref<128x128xi32, #tpu.memory_space<hbm>>, %arg4: memref<16384x128xf32, #tpu.memory_space<hbm>>, %arg5: memref<4x128xi32, #tpu.memory_space<vmem>>, %arg6: memref<512x128xf32, #tpu.memory_space<vmem>>, %arg7: memref<!tpu.dma_semaphore, #tpu.memory_space<semaphore_mem>>) attributes {dimension_semantics = [#tpu.dimension_semantics<core_parallel>, #tpu.dimension_semantics<subcore_parallel>], iteration_bounds = array<i64: 2, 16>, scalar_prefetch = 0 : i64, scratch_operands = 3 : i64, tpu.core_type = #tpu.core_type<sc_vector_subcore>, window_params = [{transform_indices = #map}, {transform_indices = #map}, {transform_indices = #map}]} {
    %mul3A = arith.constant 2 : i32
    %mul3A_0 = arith.muli %arg1, %mul3A : i32
    %add3A = arith.addi %mul3A_0, %arg0 : i32
    %mul3A_1 = arith.constant 512 : i32
    %mul3A_2 = arith.muli %add3A, %mul3A_1 : i32
    %mul3A_3 = arith.constant 4 : i32
    %mul3A_4 = arith.muli %add3A, %mul3A_3 : i32
    "tpu.region"() ({
      %run_scoped3A = tpu.sem_alloc : memref<!tpu.dma_semaphore, #tpu.memory_space<semaphore_mem>>
      %dma_start3A_83 = arith.constant 0 : i32
      %dma_start3A_84 = tpu.memref_slice %arg3[%mul3A_4, %dma_start3A_83] : memref<128x128xi32, #tpu.memory_space<hbm>> -> memref<4x128xi32, #tpu.memory_space<hbm>>
      %dma_start3A_85 = arith.constant 0 : i32
      %dma_start3A_86 = tpu.memref_slice %arg3[%mul3A_4, %dma_start3A_85] : memref<128x128xi32, #tpu.memory_space<hbm>> -> memref<4x128xi32, #tpu.memory_space<hbm>>
      tpu.enqueue_dma source(%dma_start3A_86 : memref<4x128xi32, #tpu.memory_space<hbm>>) target(%arg5 : memref<4x128xi32, #tpu.memory_space<vmem>>) target_semaphore(%run_scoped3A : memref<!tpu.dma_semaphore, #tpu.memory_space<semaphore_mem>>)
      %dma_wait3A_87 = arith.constant 0 : i32
      %dma_wait3A_88 = tpu.memref_slice %arg3[%mul3A_4, %dma_wait3A_87] : memref<128x128xi32, #tpu.memory_space<hbm>> -> memref<4x128xi32, #tpu.memory_space<hbm>>
      %dma_wait3A_89 = arith.constant 0 : i32
      %dma_wait3A_90 = tpu.memref_slice %arg3[%mul3A_4, %dma_wait3A_89] : memref<128x128xi32, #tpu.memory_space<hbm>> -> memref<4x128xi32, #tpu.memory_space<hbm>>
      tpu.wait_dma2 semaphore(%run_scoped3A : memref<!tpu.dma_semaphore, #tpu.memory_space<semaphore_mem>>) src(%dma_wait3A_90 : memref<4x128xi32, #tpu.memory_space<hbm>>) dst(%arg5 : memref<4x128xi32, #tpu.memory_space<vmem>>)
      tpu.yield
    }) : () -> ()
    %dma_start3A = arith.constant 0 : i32
    %dma_start3A_5 = arith.constant 0 : i32
    %dma_start3A_6 = arith.constant 0 : i32
    %dma_start3A_7 = tpu.memref_slice %arg6[%dma_start3A_5, %dma_start3A_6] : memref<512x128xf32, #tpu.memory_space<vmem>> -> memref<128x128xf32, #tpu.memory_space<vmem>>
    %dma_start3A_8 = arith.constant 0 : i32
    %dma_start3A_9 = tpu.memref_slice %arg5[%dma_start3A, %dma_start3A_8] : memref<4x128xi32, #tpu.memory_space<vmem>> -> memref<1x128xi32, #tpu.memory_space<vmem>>
    %dma_start3A_10 = tpu.memref_squeeze %dma_start3A_9 : memref<1x128xi32, #tpu.memory_space<vmem>> -> memref<128xi32, #tpu.memory_space<vmem>>
    %dma_start3A_11 = arith.constant 0 : i32
    %dma_start3A_12 = arith.constant 0 : i32
    %dma_start3A_13 = tpu.memref_slice %arg2[%dma_start3A_11, %dma_start3A_12] : memref<16384x128xf32, #tpu.memory_space<hbm>> -> memref<16384x128xf32, #tpu.memory_space<hbm>>
    tpu.enqueue_indirect_dma source(%dma_start3A_13 : memref<16384x128xf32, #tpu.memory_space<hbm>>) target(%dma_start3A_7 : memref<128x128xf32, #tpu.memory_space<vmem>>) offsets(%dma_start3A_10 : memref<128xi32, #tpu.memory_space<vmem>>) semaphore(%arg7 : memref<!tpu.dma_semaphore, #tpu.memory_space<semaphore_mem>>)
    %dma_start3A_14 = arith.constant 1 : i32
    %dma_start3A_15 = arith.constant 128 : i32
    %dma_start3A_16 = arith.constant 0 : i32
    %dma_start3A_17 = tpu.memref_slice %arg6[%dma_start3A_15, %dma_start3A_16] : memref<512x128xf32, #tpu.memory_space<vmem>> -> memref<128x128xf32, #tpu.memory_space<vmem>>
    %dma_start3A_18 = arith.constant 0 : i32
    %dma_start3A_19 = tpu.memref_slice %arg5[%dma_start3A_14, %dma_start3A_18] : memref<4x128xi32, #tpu.memory_space<vmem>> -> memref<1x128xi32, #tpu.memory_space<vmem>>
    %dma_start3A_20 = tpu.memref_squeeze %dma_start3A_19 : memref<1x128xi32, #tpu.memory_space<vmem>> -> memref<128xi32, #tpu.memory_space<vmem>>
    %dma_start3A_21 = arith.constant 0 : i32
    %dma_start3A_22 = arith.constant 0 : i32
    %dma_start3A_23 = tpu.memref_slice %arg2[%dma_start3A_21, %dma_start3A_22] : memref<16384x128xf32, #tpu.memory_space<hbm>> -> memref<16384x128xf32, #tpu.memory_space<hbm>>
    tpu.enqueue_indirect_dma source(%dma_start3A_23 : memref<16384x128xf32, #tpu.memory_space<hbm>>) target(%dma_start3A_17 : memref<128x128xf32, #tpu.memory_space<vmem>>) offsets(%dma_start3A_20 : memref<128xi32, #tpu.memory_space<vmem>>) semaphore(%arg7 : memref<!tpu.dma_semaphore, #tpu.memory_space<semaphore_mem>>)
    %dma_start3A_24 = arith.constant 2 : i32
    %dma_start3A_25 = arith.constant 256 : i32
    %dma_start3A_26 = arith.constant 0 : i32
    %dma_start3A_27 = tpu.memref_slice %arg6[%dma_start3A_25, %dma_start3A_26] : memref<512x128xf32, #tpu.memory_space<vmem>> -> memref<128x128xf32, #tpu.memory_space<vmem>>
    %dma_start3A_28 = arith.constant 0 : i32
    %dma_start3A_29 = tpu.memref_slice %arg5[%dma_start3A_24, %dma_start3A_28] : memref<4x128xi32, #tpu.memory_space<vmem>> -> memref<1x128xi32, #tpu.memory_space<vmem>>
    %dma_start3A_30 = tpu.memref_squeeze %dma_start3A_29 : memref<1x128xi32, #tpu.memory_space<vmem>> -> memref<128xi32, #tpu.memory_space<vmem>>
    %dma_start3A_31 = arith.constant 0 : i32
    %dma_start3A_32 = arith.constant 0 : i32
    %dma_start3A_33 = tpu.memref_slice %arg2[%dma_start3A_31, %dma_start3A_32] : memref<16384x128xf32, #tpu.memory_space<hbm>> -> memref<16384x128xf32, #tpu.memory_space<hbm>>
    tpu.enqueue_indirect_dma source(%dma_start3A_33 : memref<16384x128xf32, #tpu.memory_space<hbm>>) target(%dma_start3A_27 : memref<128x128xf32, #tpu.memory_space<vmem>>) offsets(%dma_start3A_30 : memref<128xi32, #tpu.memory_space<vmem>>) semaphore(%arg7 : memref<!tpu.dma_semaphore, #tpu.memory_space<semaphore_mem>>)
    %dma_start3A_34 = arith.constant 3 : i32
    %dma_start3A_35 = arith.constant 384 : i32
    %dma_start3A_36 = arith.constant 0 : i32
    %dma_start3A_37 = tpu.memref_slice %arg6[%dma_start3A_35, %dma_start3A_36] : memref<512x128xf32, #tpu.memory_space<vmem>> -> memref<128x128xf32, #tpu.memory_space<vmem>>
    %dma_start3A_38 = arith.constant 0 : i32
    %dma_start3A_39 = tpu.memref_slice %arg5[%dma_start3A_34, %dma_start3A_38] : memref<4x128xi32, #tpu.memory_space<vmem>> -> memref<1x128xi32, #tpu.memory_space<vmem>>
    %dma_start3A_40 = tpu.memref_squeeze %dma_start3A_39 : memref<1x128xi32, #tpu.memory_space<vmem>> -> memref<128xi32, #tpu.memory_space<vmem>>
    %dma_start3A_41 = arith.constant 0 : i32
    %dma_start3A_42 = arith.constant 0 : i32
    %dma_start3A_43 = tpu.memref_slice %arg2[%dma_start3A_41, %dma_start3A_42] : memref<16384x128xf32, #tpu.memory_space<hbm>> -> memref<16384x128xf32, #tpu.memory_space<hbm>>
    tpu.enqueue_indirect_dma source(%dma_start3A_43 : memref<16384x128xf32, #tpu.memory_space<hbm>>) target(%dma_start3A_37 : memref<128x128xf32, #tpu.memory_space<vmem>>) offsets(%dma_start3A_40 : memref<128xi32, #tpu.memory_space<vmem>>) semaphore(%arg7 : memref<!tpu.dma_semaphore, #tpu.memory_space<semaphore_mem>>)
    %dma_wait3A = arith.constant 0 : i32
    %dma_wait3A_44 = arith.constant 0 : i32
    %dma_wait3A_45 = arith.constant 0 : i32
    %dma_wait3A_46 = tpu.memref_slice %arg6[%dma_wait3A_44, %dma_wait3A_45] : memref<512x128xf32, #tpu.memory_space<vmem>> -> memref<128x128xf32, #tpu.memory_space<vmem>>
    %dma_wait3A_47 = arith.constant 0 : i32
    %dma_wait3A_48 = tpu.memref_slice %arg5[%dma_wait3A, %dma_wait3A_47] : memref<4x128xi32, #tpu.memory_space<vmem>> -> memref<1x128xi32, #tpu.memory_space<vmem>>
    %dma_wait3A_49 = tpu.memref_squeeze %dma_wait3A_48 : memref<1x128xi32, #tpu.memory_space<vmem>> -> memref<128xi32, #tpu.memory_space<vmem>>
    %dma_wait3A_50 = arith.constant 0 : i32
    %dma_wait3A_51 = arith.constant 0 : i32
    %dma_wait3A_52 = tpu.memref_slice %arg2[%dma_wait3A_50, %dma_wait3A_51] : memref<16384x128xf32, #tpu.memory_space<hbm>> -> memref<16384x128xf32, #tpu.memory_space<hbm>>
    tpu.wait_indirect_dma semaphore(%arg7 : memref<!tpu.dma_semaphore, #tpu.memory_space<semaphore_mem>>) src(%dma_wait3A_52 : memref<16384x128xf32, #tpu.memory_space<hbm>>) dst(%dma_wait3A_46 : memref<128x128xf32, #tpu.memory_space<vmem>>)
    %dma_wait3A_53 = arith.constant 1 : i32
    %dma_wait3A_54 = arith.constant 128 : i32
    %dma_wait3A_55 = arith.constant 0 : i32
    %dma_wait3A_56 = tpu.memref_slice %arg6[%dma_wait3A_54, %dma_wait3A_55] : memref<512x128xf32, #tpu.memory_space<vmem>> -> memref<128x128xf32, #tpu.memory_space<vmem>>
    %dma_wait3A_57 = arith.constant 0 : i32
    %dma_wait3A_58 = tpu.memref_slice %arg5[%dma_wait3A_53, %dma_wait3A_57] : memref<4x128xi32, #tpu.memory_space<vmem>> -> memref<1x128xi32, #tpu.memory_space<vmem>>
    %dma_wait3A_59 = tpu.memref_squeeze %dma_wait3A_58 : memref<1x128xi32, #tpu.memory_space<vmem>> -> memref<128xi32, #tpu.memory_space<vmem>>
    %dma_wait3A_60 = arith.constant 0 : i32
    %dma_wait3A_61 = arith.constant 0 : i32
    %dma_wait3A_62 = tpu.memref_slice %arg2[%dma_wait3A_60, %dma_wait3A_61] : memref<16384x128xf32, #tpu.memory_space<hbm>> -> memref<16384x128xf32, #tpu.memory_space<hbm>>
    tpu.wait_indirect_dma semaphore(%arg7 : memref<!tpu.dma_semaphore, #tpu.memory_space<semaphore_mem>>) src(%dma_wait3A_62 : memref<16384x128xf32, #tpu.memory_space<hbm>>) dst(%dma_wait3A_56 : memref<128x128xf32, #tpu.memory_space<vmem>>)
    %dma_wait3A_63 = arith.constant 2 : i32
    %dma_wait3A_64 = arith.constant 256 : i32
    %dma_wait3A_65 = arith.constant 0 : i32
    %dma_wait3A_66 = tpu.memref_slice %arg6[%dma_wait3A_64, %dma_wait3A_65] : memref<512x128xf32, #tpu.memory_space<vmem>> -> memref<128x128xf32, #tpu.memory_space<vmem>>
    %dma_wait3A_67 = arith.constant 0 : i32
    %dma_wait3A_68 = tpu.memref_slice %arg5[%dma_wait3A_63, %dma_wait3A_67] : memref<4x128xi32, #tpu.memory_space<vmem>> -> memref<1x128xi32, #tpu.memory_space<vmem>>
    %dma_wait3A_69 = tpu.memref_squeeze %dma_wait3A_68 : memref<1x128xi32, #tpu.memory_space<vmem>> -> memref<128xi32, #tpu.memory_space<vmem>>
    %dma_wait3A_70 = arith.constant 0 : i32
    %dma_wait3A_71 = arith.constant 0 : i32
    %dma_wait3A_72 = tpu.memref_slice %arg2[%dma_wait3A_70, %dma_wait3A_71] : memref<16384x128xf32, #tpu.memory_space<hbm>> -> memref<16384x128xf32, #tpu.memory_space<hbm>>
    tpu.wait_indirect_dma semaphore(%arg7 : memref<!tpu.dma_semaphore, #tpu.memory_space<semaphore_mem>>) src(%dma_wait3A_72 : memref<16384x128xf32, #tpu.memory_space<hbm>>) dst(%dma_wait3A_66 : memref<128x128xf32, #tpu.memory_space<vmem>>)
    %dma_wait3A_73 = arith.constant 3 : i32
    %dma_wait3A_74 = arith.constant 384 : i32
    %dma_wait3A_75 = arith.constant 0 : i32
    %dma_wait3A_76 = tpu.memref_slice %arg6[%dma_wait3A_74, %dma_wait3A_75] : memref<512x128xf32, #tpu.memory_space<vmem>> -> memref<128x128xf32, #tpu.memory_space<vmem>>
    %dma_wait3A_77 = arith.constant 0 : i32
    %dma_wait3A_78 = tpu.memref_slice %arg5[%dma_wait3A_73, %dma_wait3A_77] : memref<4x128xi32, #tpu.memory_space<vmem>> -> memref<1x128xi32, #tpu.memory_space<vmem>>
    %dma_wait3A_79 = tpu.memref_squeeze %dma_wait3A_78 : memref<1x128xi32, #tpu.memory_space<vmem>> -> memref<128xi32, #tpu.memory_space<vmem>>
    %dma_wait3A_80 = arith.constant 0 : i32
    %dma_wait3A_81 = arith.constant 0 : i32
    %dma_wait3A_82 = tpu.memref_slice %arg2[%dma_wait3A_80, %dma_wait3A_81] : memref<16384x128xf32, #tpu.memory_space<hbm>> -> memref<16384x128xf32, #tpu.memory_space<hbm>>
    tpu.wait_indirect_dma semaphore(%arg7 : memref<!tpu.dma_semaphore, #tpu.memory_space<semaphore_mem>>) src(%dma_wait3A_82 : memref<16384x128xf32, #tpu.memory_space<hbm>>) dst(%dma_wait3A_76 : memref<128x128xf32, #tpu.memory_space<vmem>>)
    "tpu.region"() ({
      %run_scoped3A = tpu.sem_alloc : memref<!tpu.dma_semaphore, #tpu.memory_space<semaphore_mem>>
      %dma_start3A_83 = arith.constant 0 : i32
      %dma_start3A_84 = tpu.memref_slice %arg4[%mul3A_2, %dma_start3A_83] : memref<16384x128xf32, #tpu.memory_space<hbm>> -> memref<512x128xf32, #tpu.memory_space<hbm>>
      %dma_start3A_85 = arith.constant 0 : i32
      %dma_start3A_86 = tpu.memref_slice %arg4[%mul3A_2, %dma_start3A_85] : memref<16384x128xf32, #tpu.memory_space<hbm>> -> memref<512x128xf32, #tpu.memory_space<hbm>>
      tpu.enqueue_dma source(%arg6 : memref<512x128xf32, #tpu.memory_space<vmem>>) target(%dma_start3A_86 : memref<512x128xf32, #tpu.memory_space<hbm>>) target_semaphore(%run_scoped3A : memref<!tpu.dma_semaphore, #tpu.memory_space<semaphore_mem>>)
      %dma_wait3A_87 = arith.constant 0 : i32
      %dma_wait3A_88 = tpu.memref_slice %arg4[%mul3A_2, %dma_wait3A_87] : memref<16384x128xf32, #tpu.memory_space<hbm>> -> memref<512x128xf32, #tpu.memory_space<hbm>>
      %dma_wait3A_89 = arith.constant 0 : i32
      %dma_wait3A_90 = tpu.memref_slice %arg4[%mul3A_2, %dma_wait3A_89] : memref<16384x128xf32, #tpu.memory_space<hbm>> -> memref<512x128xf32, #tpu.memory_space<hbm>>
      tpu.wait_dma2 semaphore(%run_scoped3A : memref<!tpu.dma_semaphore, #tpu.memory_space<semaphore_mem>>) src(%arg6 : memref<512x128xf32, #tpu.memory_space<vmem>>) dst(%dma_wait3A_90 : memref<512x128xf32, #tpu.memory_space<hbm>>)
      tpu.yield
    }) : () -> ()
    return
  }
}

module attributes {stable_mosaic.version = 14 : i64} {
  func.func @_argmax_body(%arg0: i32, %arg1: memref<8x128x2048xf32, #tpu.memory_space<vmem>>, %arg2: memref<8x128xi32, #tpu.memory_space<vmem>>) attributes {dimension_semantics = [#tpu.dimension_semantics<arbitrary>], iteration_bounds = array<i64: 16>, scalar_prefetch = 0 : i64, scratch_operands = 0 : i64, tpu.core_type = #tpu.core_type<tc>, window_params = [{transform_indices = @transform_0, window_bounds = array<i64: 8, 128, 2048>}, {transform_indices = @transform_1, window_bounds = array<i64: 8, 128>}]} {
    %iota3A = tpu.iota {dimensions = array<i32: 1>} : vector<128x2048xi32>
    %convert_element_type3A = arith.sitofp %iota3A : vector<128x2048xi32> to vector<128x2048xf32>
    %sub3A = arith.constant 2.048000e+03 : f32
    %sub3A_0 = vector.broadcast %sub3A : f32 to vector<128x2048xf32>
    %sub3A_1 = arith.subf %sub3A_0, %convert_element_type3A : vector<128x2048xf32>
    %get3A = arith.constant 0 : index
    %get3A_2 = arith.constant 0 : index
    %get3A_3 = arith.constant 0 : index
    %get3A_4 = vector.load %arg1[%get3A, %get3A_2, %get3A_3] : memref<8x128x2048xf32, #tpu.memory_space<vmem>>, vector<1x128x2048xf32>
    %get3A_5 = vector.shape_cast %get3A_4 : vector<1x128x2048xf32> to vector<128x2048xf32>
    %reduce_max3A = arith.constant dense<0xFF800000> : vector<128xf32>
    %reduce_max3A_6 = vector.multi_reduction <maximumf>, %get3A_5, %reduce_max3A [1] : vector<128x2048xf32> to vector<128xf32>
    %broadcast_in_dim3A = vector.shape_cast %reduce_max3A_6 : vector<128xf32> to vector<128x1xf32>
    %eq3A = vector.broadcast %broadcast_in_dim3A : vector<128x1xf32> to vector<128x2048xf32>
    %eq3A_7 = arith.cmpf oeq, %get3A_5, %eq3A : vector<128x2048xf32>
    %jit3A = arith.constant 0.000000e+00 : f32
    %broadcast_in_dim3A_8 = vector.broadcast %jit3A : f32 to vector<128x2048xf32>
    %select_n3A = arith.select %eq3A_7, %sub3A_1, %broadcast_in_dim3A_8 : vector<128x2048xi1>, vector<128x2048xf32>
    %reduce_max3A_9 = arith.constant dense<0xFF800000> : vector<128xf32>
    %reduce_max3A_10 = vector.multi_reduction <maximumf>, %select_n3A, %reduce_max3A_9 [1] : vector<128x2048xf32> to vector<128xf32>
    %sub3A_11 = arith.constant 2.048000e+03 : f32
    %sub3A_12 = vector.broadcast %sub3A_11 : f32 to vector<128xf32>
    %sub3A_13 = arith.subf %sub3A_12, %reduce_max3A_10 : vector<128xf32>
    %convert_element_type3A_14 = arith.fptosi %sub3A_13 : vector<128xf32> to vector<128xi32>
    %add3A = arith.constant 0 : i32
    %add3A_15 = vector.broadcast %add3A : i32 to vector<128xi32>
    %add3A_16 = arith.addi %convert_element_type3A_14, %add3A_15 : vector<128xi32>
    %swap3A = arith.constant 0 : index
    %swap3A_17 = arith.constant 0 : index
    %swap3A_18 = vector.load %arg2[%swap3A, %swap3A_17] : memref<8x128xi32, #tpu.memory_space<vmem>>, vector<1x128xi32>
    %swap3A_19 = vector.shape_cast %swap3A_18 : vector<1x128xi32> to vector<128xi32>
    %swap3A_20 = vector.shape_cast %add3A_16 : vector<128xi32> to vector<1x128xi32>
    tpu.vector_store %arg2[%swap3A, %swap3A_17], %swap3A_20 {strides = array<i32>} : memref<8x128xi32, #tpu.memory_space<vmem>>, vector<1x128xi32>,
    %get3A_21 = arith.constant 1 : index
    %get3A_22 = arith.constant 0 : index
    %get3A_23 = arith.constant 0 : index
    %get3A_24 = vector.load %arg1[%get3A_21, %get3A_22, %get3A_23] : memref<8x128x2048xf32, #tpu.memory_space<vmem>>, vector<1x128x2048xf32>
    %get3A_25 = vector.shape_cast %get3A_24 : vector<1x128x2048xf32> to vector<128x2048xf32>
    %reduce_max3A_26 = arith.constant dense<0xFF800000> : vector<128xf32>
    %reduce_max3A_27 = vector.multi_reduction <maximumf>, %get3A_25, %reduce_max3A_26 [1] : vector<128x2048xf32> to vector<128xf32>
    %broadcast_in_dim3A_28 = vector.shape_cast %reduce_max3A_27 : vector<128xf32> to vector<128x1xf32>
    %eq3A_29 = vector.broadcast %broadcast_in_dim3A_28 : vector<128x1xf32> to vector<128x2048xf32>
    %eq3A_30 = arith.cmpf oeq, %get3A_25, %eq3A_29 : vector<128x2048xf32>
    %jit3A_31 = arith.constant 0.000000e+00 : f32
    %broadcast_in_dim3A_32 = vector.broadcast %jit3A_31 : f32 to vector<128x2048xf32>
    %select_n3A_33 = arith.select %eq3A_30, %sub3A_1, %broadcast_in_dim3A_32 : vector<128x2048xi1>, vector<128x2048xf32>
    %reduce_max3A_34 = arith.constant dense<0xFF800000> : vector<128xf32>
    %reduce_max3A_35 = vector.multi_reduction <maximumf>, %select_n3A_33, %reduce_max3A_34 [1] : vector<128x2048xf32> to vector<128xf32>
    %sub3A_36 = arith.constant 2.048000e+03 : f32
    %sub3A_37 = vector.broadcast %sub3A_36 : f32 to vector<128xf32>
    %sub3A_38 = arith.subf %sub3A_37, %reduce_max3A_35 : vector<128xf32>
    %convert_element_type3A_39 = arith.fptosi %sub3A_38 : vector<128xf32> to vector<128xi32>
    %add3A_40 = arith.constant 2048 : i32
    %add3A_41 = vector.broadcast %add3A_40 : i32 to vector<128xi32>
    %add3A_42 = arith.addi %convert_element_type3A_39, %add3A_41 : vector<128xi32>
    %swap3A_43 = arith.constant 1 : index
    %swap3A_44 = arith.constant 0 : index
    %swap3A_45 = vector.load %arg2[%swap3A_43, %swap3A_44] : memref<8x128xi32, #tpu.memory_space<vmem>>, vector<1x128xi32>
    %swap3A_46 = vector.shape_cast %swap3A_45 : vector<1x128xi32> to vector<128xi32>
    %swap3A_47 = vector.shape_cast %add3A_42 : vector<128xi32> to vector<1x128xi32>
    tpu.vector_store %arg2[%swap3A_43, %swap3A_44], %swap3A_47 {strides = array<i32>} : memref<8x128xi32, #tpu.memory_space<vmem>>, vector<1x128xi32>,
    %get3A_48 = arith.constant 2 : index
    %get3A_49 = arith.constant 0 : index
    %get3A_50 = arith.constant 0 : index
    %get3A_51 = vector.load %arg1[%get3A_48, %get3A_49, %get3A_50] : memref<8x128x2048xf32, #tpu.memory_space<vmem>>, vector<1x128x2048xf32>
    %get3A_52 = vector.shape_cast %get3A_51 : vector<1x128x2048xf32> to vector<128x2048xf32>
    %reduce_max3A_53 = arith.constant dense<0xFF800000> : vector<128xf32>
    %reduce_max3A_54 = vector.multi_reduction <maximumf>, %get3A_52, %reduce_max3A_53 [1] : vector<128x2048xf32> to vector<128xf32>
    %broadcast_in_dim3A_55 = vector.shape_cast %reduce_max3A_54 : vector<128xf32> to vector<128x1xf32>
    %eq3A_56 = vector.broadcast %broadcast_in_dim3A_55 : vector<128x1xf32> to vector<128x2048xf32>
    %eq3A_57 = arith.cmpf oeq, %get3A_52, %eq3A_56 : vector<128x2048xf32>
    %jit3A_58 = arith.constant 0.000000e+00 : f32
    %broadcast_in_dim3A_59 = vector.broadcast %jit3A_58 : f32 to vector<128x2048xf32>
    %select_n3A_60 = arith.select %eq3A_57, %sub3A_1, %broadcast_in_dim3A_59 : vector<128x2048xi1>, vector<128x2048xf32>
    %reduce_max3A_61 = arith.constant dense<0xFF800000> : vector<128xf32>
    %reduce_max3A_62 = vector.multi_reduction <maximumf>, %select_n3A_60, %reduce_max3A_61 [1] : vector<128x2048xf32> to vector<128xf32>
    %sub3A_63 = arith.constant 2.048000e+03 : f32
    %sub3A_64 = vector.broadcast %sub3A_63 : f32 to vector<128xf32>
    %sub3A_65 = arith.subf %sub3A_64, %reduce_max3A_62 : vector<128xf32>
    %convert_element_type3A_66 = arith.fptosi %sub3A_65 : vector<128xf32> to vector<128xi32>
    %add3A_67 = arith.constant 4096 : i32
    %add3A_68 = vector.broadcast %add3A_67 : i32 to vector<128xi32>
    %add3A_69 = arith.addi %convert_element_type3A_66, %add3A_68 : vector<128xi32>
    %swap3A_70 = arith.constant 2 : index
    %swap3A_71 = arith.constant 0 : index
    %swap3A_72 = vector.load %arg2[%swap3A_70, %swap3A_71] : memref<8x128xi32, #tpu.memory_space<vmem>>, vector<1x128xi32>
    %swap3A_73 = vector.shape_cast %swap3A_72 : vector<1x128xi32> to vector<128xi32>
    %swap3A_74 = vector.shape_cast %add3A_69 : vector<128xi32> to vector<1x128xi32>
    tpu.vector_store %arg2[%swap3A_70, %swap3A_71], %swap3A_74 {strides = array<i32>} : memref<8x128xi32, #tpu.memory_space<vmem>>, vector<1x128xi32>,
    %get3A_75 = arith.constant 3 : index
    %get3A_76 = arith.constant 0 : index
    %get3A_77 = arith.constant 0 : index
    %get3A_78 = vector.load %arg1[%get3A_75, %get3A_76, %get3A_77] : memref<8x128x2048xf32, #tpu.memory_space<vmem>>, vector<1x128x2048xf32>
    %get3A_79 = vector.shape_cast %get3A_78 : vector<1x128x2048xf32> to vector<128x2048xf32>
    %reduce_max3A_80 = arith.constant dense<0xFF800000> : vector<128xf32>
    %reduce_max3A_81 = vector.multi_reduction <maximumf>, %get3A_79, %reduce_max3A_80 [1] : vector<128x2048xf32> to vector<128xf32>
    %broadcast_in_dim3A_82 = vector.shape_cast %reduce_max3A_81 : vector<128xf32> to vector<128x1xf32>
    %eq3A_83 = vector.broadcast %broadcast_in_dim3A_82 : vector<128x1xf32> to vector<128x2048xf32>
    %eq3A_84 = arith.cmpf oeq, %get3A_79, %eq3A_83 : vector<128x2048xf32>
    %jit3A_85 = arith.constant 0.000000e+00 : f32
    %broadcast_in_dim3A_86 = vector.broadcast %jit3A_85 : f32 to vector<128x2048xf32>
    %select_n3A_87 = arith.select %eq3A_84, %sub3A_1, %broadcast_in_dim3A_86 : vector<128x2048xi1>, vector<128x2048xf32>
    %reduce_max3A_88 = arith.constant dense<0xFF800000> : vector<128xf32>
    %reduce_max3A_89 = vector.multi_reduction <maximumf>, %select_n3A_87, %reduce_max3A_88 [1] : vector<128x2048xf32> to vector<128xf32>
    %sub3A_90 = arith.constant 2.048000e+03 : f32
    %sub3A_91 = vector.broadcast %sub3A_90 : f32 to vector<128xf32>
    %sub3A_92 = arith.subf %sub3A_91, %reduce_max3A_89 : vector<128xf32>
    %convert_element_type3A_93 = arith.fptosi %sub3A_92 : vector<128xf32> to vector<128xi32>
    %add3A_94 = arith.constant 6144 : i32
    %add3A_95 = vector.broadcast %add3A_94 : i32 to vector<128xi32>
    %add3A_96 = arith.addi %convert_element_type3A_93, %add3A_95 : vector<128xi32>
    %swap3A_97 = arith.constant 3 : index
    %swap3A_98 = arith.constant 0 : index
    %swap3A_99 = vector.load %arg2[%swap3A_97, %swap3A_98] : memref<8x128xi32, #tpu.memory_space<vmem>>, vector<1x128xi32>
    %swap3A_100 = vector.shape_cast %swap3A_99 : vector<1x128xi32> to vector<128xi32>
    %swap3A_101 = vector.shape_cast %add3A_96 : vector<128xi32> to vector<1x128xi32>
    tpu.vector_store %arg2[%swap3A_97, %swap3A_98], %swap3A_101 {strides = array<i32>} : memref<8x128xi32, #tpu.memory_space<vmem>>, vector<1x128xi32>,
    %get3A_102 = arith.constant 4 : index
    %get3A_103 = arith.constant 0 : index
    %get3A_104 = arith.constant 0 : index
    %get3A_105 = vector.load %arg1[%get3A_102, %get3A_103, %get3A_104] : memref<8x128x2048xf32, #tpu.memory_space<vmem>>, vector<1x128x2048xf32>
    %get3A_106 = vector.shape_cast %get3A_105 : vector<1x128x2048xf32> to vector<128x2048xf32>
    %reduce_max3A_107 = arith.constant dense<0xFF800000> : vector<128xf32>
    %reduce_max3A_108 = vector.multi_reduction <maximumf>, %get3A_106, %reduce_max3A_107 [1] : vector<128x2048xf32> to vector<128xf32>
    %broadcast_in_dim3A_109 = vector.shape_cast %reduce_max3A_108 : vector<128xf32> to vector<128x1xf32>
    %eq3A_110 = vector.broadcast %broadcast_in_dim3A_109 : vector<128x1xf32> to vector<128x2048xf32>
    %eq3A_111 = arith.cmpf oeq, %get3A_106, %eq3A_110 : vector<128x2048xf32>
    %jit3A_112 = arith.constant 0.000000e+00 : f32
    %broadcast_in_dim3A_113 = vector.broadcast %jit3A_112 : f32 to vector<128x2048xf32>
    %select_n3A_114 = arith.select %eq3A_111, %sub3A_1, %broadcast_in_dim3A_113 : vector<128x2048xi1>, vector<128x2048xf32>
    %reduce_max3A_115 = arith.constant dense<0xFF800000> : vector<128xf32>
    %reduce_max3A_116 = vector.multi_reduction <maximumf>, %select_n3A_114, %reduce_max3A_115 [1] : vector<128x2048xf32> to vector<128xf32>
    %sub3A_117 = arith.constant 2.048000e+03 : f32
    %sub3A_118 = vector.broadcast %sub3A_117 : f32 to vector<128xf32>
    %sub3A_119 = arith.subf %sub3A_118, %reduce_max3A_116 : vector<128xf32>
    %convert_element_type3A_120 = arith.fptosi %sub3A_119 : vector<128xf32> to vector<128xi32>
    %add3A_121 = arith.constant 8192 : i32
    %add3A_122 = vector.broadcast %add3A_121 : i32 to vector<128xi32>
    %add3A_123 = arith.addi %convert_element_type3A_120, %add3A_122 : vector<128xi32>
    %swap3A_124 = arith.constant 4 : index
    %swap3A_125 = arith.constant 0 : index
    %swap3A_126 = vector.load %arg2[%swap3A_124, %swap3A_125] : memref<8x128xi32, #tpu.memory_space<vmem>>, vector<1x128xi32>
    %swap3A_127 = vector.shape_cast %swap3A_126 : vector<1x128xi32> to vector<128xi32>
    %swap3A_128 = vector.shape_cast %add3A_123 : vector<128xi32> to vector<1x128xi32>
    tpu.vector_store %arg2[%swap3A_124, %swap3A_125], %swap3A_128 {strides = array<i32>} : memref<8x128xi32, #tpu.memory_space<vmem>>, vector<1x128xi32>,
    %get3A_129 = arith.constant 5 : index
    %get3A_130 = arith.constant 0 : index
    %get3A_131 = arith.constant 0 : index
    %get3A_132 = vector.load %arg1[%get3A_129, %get3A_130, %get3A_131] : memref<8x128x2048xf32, #tpu.memory_space<vmem>>, vector<1x128x2048xf32>
    %get3A_133 = vector.shape_cast %get3A_132 : vector<1x128x2048xf32> to vector<128x2048xf32>
    %reduce_max3A_134 = arith.constant dense<0xFF800000> : vector<128xf32>
    %reduce_max3A_135 = vector.multi_reduction <maximumf>, %get3A_133, %reduce_max3A_134 [1] : vector<128x2048xf32> to vector<128xf32>
    %broadcast_in_dim3A_136 = vector.shape_cast %reduce_max3A_135 : vector<128xf32> to vector<128x1xf32>
    %eq3A_137 = vector.broadcast %broadcast_in_dim3A_136 : vector<128x1xf32> to vector<128x2048xf32>
    %eq3A_138 = arith.cmpf oeq, %get3A_133, %eq3A_137 : vector<128x2048xf32>
    %jit3A_139 = arith.constant 0.000000e+00 : f32
    %broadcast_in_dim3A_140 = vector.broadcast %jit3A_139 : f32 to vector<128x2048xf32>
    %select_n3A_141 = arith.select %eq3A_138, %sub3A_1, %broadcast_in_dim3A_140 : vector<128x2048xi1>, vector<128x2048xf32>
    %reduce_max3A_142 = arith.constant dense<0xFF800000> : vector<128xf32>
    %reduce_max3A_143 = vector.multi_reduction <maximumf>, %select_n3A_141, %reduce_max3A_142 [1] : vector<128x2048xf32> to vector<128xf32>
    %sub3A_144 = arith.constant 2.048000e+03 : f32
    %sub3A_145 = vector.broadcast %sub3A_144 : f32 to vector<128xf32>
    %sub3A_146 = arith.subf %sub3A_145, %reduce_max3A_143 : vector<128xf32>
    %convert_element_type3A_147 = arith.fptosi %sub3A_146 : vector<128xf32> to vector<128xi32>
    %add3A_148 = arith.constant 10240 : i32
    %add3A_149 = vector.broadcast %add3A_148 : i32 to vector<128xi32>
    %add3A_150 = arith.addi %convert_element_type3A_147, %add3A_149 : vector<128xi32>
    %swap3A_151 = arith.constant 5 : index
    %swap3A_152 = arith.constant 0 : index
    %swap3A_153 = vector.load %arg2[%swap3A_151, %swap3A_152] : memref<8x128xi32, #tpu.memory_space<vmem>>, vector<1x128xi32>
    %swap3A_154 = vector.shape_cast %swap3A_153 : vector<1x128xi32> to vector<128xi32>
    %swap3A_155 = vector.shape_cast %add3A_150 : vector<128xi32> to vector<1x128xi32>
    tpu.vector_store %arg2[%swap3A_151, %swap3A_152], %swap3A_155 {strides = array<i32>} : memref<8x128xi32, #tpu.memory_space<vmem>>, vector<1x128xi32>,
    %get3A_156 = arith.constant 6 : index
    %get3A_157 = arith.constant 0 : index
    %get3A_158 = arith.constant 0 : index
    %get3A_159 = vector.load %arg1[%get3A_156, %get3A_157, %get3A_158] : memref<8x128x2048xf32, #tpu.memory_space<vmem>>, vector<1x128x2048xf32>
    %get3A_160 = vector.shape_cast %get3A_159 : vector<1x128x2048xf32> to vector<128x2048xf32>
    %reduce_max3A_161 = arith.constant dense<0xFF800000> : vector<128xf32>
    %reduce_max3A_162 = vector.multi_reduction <maximumf>, %get3A_160, %reduce_max3A_161 [1] : vector<128x2048xf32> to vector<128xf32>
    %broadcast_in_dim3A_163 = vector.shape_cast %reduce_max3A_162 : vector<128xf32> to vector<128x1xf32>
    %eq3A_164 = vector.broadcast %broadcast_in_dim3A_163 : vector<128x1xf32> to vector<128x2048xf32>
    %eq3A_165 = arith.cmpf oeq, %get3A_160, %eq3A_164 : vector<128x2048xf32>
    %jit3A_166 = arith.constant 0.000000e+00 : f32
    %broadcast_in_dim3A_167 = vector.broadcast %jit3A_166 : f32 to vector<128x2048xf32>
    %select_n3A_168 = arith.select %eq3A_165, %sub3A_1, %broadcast_in_dim3A_167 : vector<128x2048xi1>, vector<128x2048xf32>
    %reduce_max3A_169 = arith.constant dense<0xFF800000> : vector<128xf32>
    %reduce_max3A_170 = vector.multi_reduction <maximumf>, %select_n3A_168, %reduce_max3A_169 [1] : vector<128x2048xf32> to vector<128xf32>
    %sub3A_171 = arith.constant 2.048000e+03 : f32
    %sub3A_172 = vector.broadcast %sub3A_171 : f32 to vector<128xf32>
    %sub3A_173 = arith.subf %sub3A_172, %reduce_max3A_170 : vector<128xf32>
    %convert_element_type3A_174 = arith.fptosi %sub3A_173 : vector<128xf32> to vector<128xi32>
    %add3A_175 = arith.constant 12288 : i32
    %add3A_176 = vector.broadcast %add3A_175 : i32 to vector<128xi32>
    %add3A_177 = arith.addi %convert_element_type3A_174, %add3A_176 : vector<128xi32>
    %swap3A_178 = arith.constant 6 : index
    %swap3A_179 = arith.constant 0 : index
    %swap3A_180 = vector.load %arg2[%swap3A_178, %swap3A_179] : memref<8x128xi32, #tpu.memory_space<vmem>>, vector<1x128xi32>
    %swap3A_181 = vector.shape_cast %swap3A_180 : vector<1x128xi32> to vector<128xi32>
    %swap3A_182 = vector.shape_cast %add3A_177 : vector<128xi32> to vector<1x128xi32>
    tpu.vector_store %arg2[%swap3A_178, %swap3A_179], %swap3A_182 {strides = array<i32>} : memref<8x128xi32, #tpu.memory_space<vmem>>, vector<1x128xi32>,
    %get3A_183 = arith.constant 7 : index
    %get3A_184 = arith.constant 0 : index
    %get3A_185 = arith.constant 0 : index
    %get3A_186 = vector.load %arg1[%get3A_183, %get3A_184, %get3A_185] : memref<8x128x2048xf32, #tpu.memory_space<vmem>>, vector<1x128x2048xf32>
    %get3A_187 = vector.shape_cast %get3A_186 : vector<1x128x2048xf32> to vector<128x2048xf32>
    %reduce_max3A_188 = arith.constant dense<0xFF800000> : vector<128xf32>
    %reduce_max3A_189 = vector.multi_reduction <maximumf>, %get3A_187, %reduce_max3A_188 [1] : vector<128x2048xf32> to vector<128xf32>
    %broadcast_in_dim3A_190 = vector.shape_cast %reduce_max3A_189 : vector<128xf32> to vector<128x1xf32>
    %eq3A_191 = vector.broadcast %broadcast_in_dim3A_190 : vector<128x1xf32> to vector<128x2048xf32>
    %eq3A_192 = arith.cmpf oeq, %get3A_187, %eq3A_191 : vector<128x2048xf32>
    %jit3A_193 = arith.constant 0.000000e+00 : f32
    %broadcast_in_dim3A_194 = vector.broadcast %jit3A_193 : f32 to vector<128x2048xf32>
    %select_n3A_195 = arith.select %eq3A_192, %sub3A_1, %broadcast_in_dim3A_194 : vector<128x2048xi1>, vector<128x2048xf32>
    %reduce_max3A_196 = arith.constant dense<0xFF800000> : vector<128xf32>
    %reduce_max3A_197 = vector.multi_reduction <maximumf>, %select_n3A_195, %reduce_max3A_196 [1] : vector<128x2048xf32> to vector<128xf32>
    %sub3A_198 = arith.constant 2.048000e+03 : f32
    %sub3A_199 = vector.broadcast %sub3A_198 : f32 to vector<128xf32>
    %sub3A_200 = arith.subf %sub3A_199, %reduce_max3A_197 : vector<128xf32>
    %convert_element_type3A_201 = arith.fptosi %sub3A_200 : vector<128xf32> to vector<128xi32>
    %add3A_202 = arith.constant 14336 : i32
    %add3A_203 = vector.broadcast %add3A_202 : i32 to vector<128xi32>
    %add3A_204 = arith.addi %convert_element_type3A_201, %add3A_203 : vector<128xi32>
    %swap3A_205 = arith.constant 7 : index
    %swap3A_206 = arith.constant 0 : index
    %swap3A_207 = vector.load %arg2[%swap3A_205, %swap3A_206] : memref<8x128xi32, #tpu.memory_space<vmem>>, vector<1x128xi32>
    %swap3A_208 = vector.shape_cast %swap3A_207 : vector<1x128xi32> to vector<128xi32>
    %swap3A_209 = vector.shape_cast %add3A_204 : vector<128xi32> to vector<1x128xi32>
    tpu.vector_store %arg2[%swap3A_205, %swap3A_206], %swap3A_209 {strides = array<i32>} : memref<8x128xi32, #tpu.memory_space<vmem>>, vector<1x128xi32>,
    return
  }
  func.func @transform_0(%arg0: i32) -> (i32, i32, i32) {
    %c0_i32 = arith.constant 0 : i32
    %c0_i32_0 = arith.constant 0 : i32
    %c0_i32_1 = arith.constant 0 : i32
    return %c0_i32, %arg0, %c0_i32_0 : i32, i32, i32
  }
  func.func @transform_1(%arg0: i32) -> (i32, i32) {
    %c0_i32 = arith.constant 0 : i32
    %c0_i32_0 = arith.constant 0 : i32
    return %c0_i32, %arg0 : i32, i32
  }
}

</mosaic_0001>

<sc_bundles>
// kernel: kernel.4.cloned.1.call-start
scs
__scs_entry_jumppad:
0x0: {  	(pc) =	sbr.rel $0x88, $3  }
0x1: {  	(tag) =	ssettag $0x0;
	lr =	simm.s32 $0x1  }
0x2: {  	[smem:$0x3F9F] =	sst lr;
	_ =	strace $0xD0000000  }
0x3: {  	_ = 	snop  }
0x4: {  	_ = 	snop  }
0x5: {  	_ = 	snop  }
0x6: {  	_ = 	snop  }
0x7: {  	_ = 	snop  }
__scs_overlays_trampoline_lowered:
0x8: {  	[smem:$0x3FAE] =	sst s0  }
0x9: {  	[smem:$0x3FAF] =	sst s1  }
0xa: {  	[smem:$0x3FB0] =	sst s2  }
0xb: {  	[smem:$0x3FB1] =	sst s3  }
0xc: {  	[smem:$0x3FB2] =	sst s4  }
0xd: {  	[smem:$0x3FB3] =	sst s5  }
0xe: {  	[smem:$0x3FB4] =	sst s6  }
0xf: {  	[smem:$0x3FB5] =	sst s7  }
0x10: {  	[smem:$0x3FB6] =	sst s8  }
0x11: {  	[smem:$0x3FB7] =	sst s9;
	s0 =	simm.s32 @!p0 $0x0  }
0x12: {  	s1 =	sld [smem:$0x3F9D];
	s0 =	simm.s32 @p0 $0x1  }
0x13: {  	[smem:$0x3FB8] =	sst s0;
	s0 =	simm.s32 @!p1 $0x0  }
0x14: {  	s2 =	sld [smem:$0x3F9C];
	s0 =	simm.s32 @p1 $0x1  }
0x15: {  	[smem:$0x3FB9] =	sst s0;
	s0 =	simm.s32 @!p2 $0x0  }
0x16: {  	s3 =	sld [smem:$0x3FDB];
	s0 =	simm.s32 @p2 $0x1  }
0x17: {  	s4 =	simm.s32 $0x1BF5;
	[smem:$0x3FBB] =	sst s0  }
0x18: {  	s0 =	sld [smem:$0x3F9E];
	_ =	swait.ge [sflag:s4], $0x0  }
0x19: {  	s7 =	sld [smem:$0x3F9F]  }
0x1a: {  	s8 =	sadd.s32 $0xFFFFE003, lr  }
0x1b: {  	s9 =	sadd.s32 $0xFFFFFEF7, lr;
	s5 =	simm.s32 $0xFFFFFFFF;
	p2 =	slt.u32 s8, $0xFFFFF086  }
0x1c: {  	p1 =	slt.u32 s9, $0xF7A;
	s5 =	simm.s32 @!p2 $0x0  }
0x1d: {  	s5 =	simm.s32 @p1 $0x1;
	p0 =	seq.s32 s7, s2  }
0x1e: {  	s7 =	smul.u32 @!p0 $0xF7A, s2;
	p2 =	seq.s32 @!p0 s5, $0x0  }
0x1f: {  	s9 =	smul.u32 $0xF7A, s1;
	s8 =	simm.s32 @!p0 $0x1BF5;
	p2 =	por !p2, p0  }
0x20: {  	[sflag:s8] =	ssyncset.s32 @!p0 $0xFFFFF086;
	s6 =	sadd.s32 @!p0 s3, s7;
	s7 =	simm.s32 @!p0 $0x108  }
0x21: {  	s3 =	sadd.s32 s3, s9;
	s6 =	sadd.s32 @!p0 $0x88, s6;
	s7 =	simm.s32 @p2 $0x1082  }
0x22: {  	[simem:s7], [sflag:s8] =	dma.local @!p0 [hbm:s6], $0xF7A  }
0x23: {  	s9 =	sor.u32 $0xD0000000, s2;
	s6 =	simm.s32 $0x108;
	_ =	swait.ge @!p0 [sflag:s8], $0x0  }
0x24: {  	s3 =	sadd.s32 $0x88, s3;
	s6 =	simm.s32 @!p1 $0x1082;
	[sflag:s4] =	ssyncset.s32 $0xFFFFF086  }
0x25: {  	[simem:s6], [sflag:s4] =	dma.local [hbm:s3], $0xF7A  }
0x26: {  	[smem:$0x3F9F] =	sst s1;
	(tag) =	ssettag s2;
	_ =	strace s9  }
0x27: {  	s1 =	sld [smem:$0x3FAF]  }
0x28: {  	s2 =	sld [smem:$0x3FB0]  }
0x29: {  	s4 =	sld [smem:$0x3FB2]  }
0x2a: {  	p0 =	seq.s32 s5, $0x0;
	s5 =	sld [smem:$0x3FB3]  }
0x2b: {  	s6 =	sld [smem:$0x3FB4]  }
0x2c: {  	s7 =	sld [smem:$0x3FB5]  }
0x2d: {  	s3 =	simm.s32 $0x108;
	s8 =	sld [smem:$0x3FB6]  }
0x2e: {  	s3 =	simm.s32 @!p0 $0x1082;
	s9 =	sld [smem:$0x3FB7]  }
0x2f: {  	lr =	sadd.s32 s0, s3;
	s0 =	sld [smem:$0x3FAE]  }
0x30: {  	s3 =	sld [smem:$0x3FB1]  }
0x31: {  	[smem:$0x3FBA] =	sst s10  }
0x32: {  	s10 =	sld [smem:$0x3FB8];
	_ =	sdelay $0x3  }
0x33: {  	p0 =	seq.s32 s10, $0x1;
	s10 =	sld [smem:$0x3FBA];
	_ =	sdelay $0x3  }
0x34: {  	[smem:$0x3FBA] =	sst s10  }
0x35: {  	s10 =	sld [smem:$0x3FB9];
	_ =	sdelay $0x3  }
0x36: {  	p1 =	seq.s32 s10, $0x1;
	s10 =	sld [smem:$0x3FBA];
	_ =	sdelay $0x3  }
0x37: {  	[smem:$0x3FBA] =	sst s10  }
0x38: {  	s10 =	sld [smem:$0x3FBB]  }
0x39: {  	_ = 	snop;
	(pc) =	sbr.ind lr, $3  }
0x3a: {  	_ = 	snop  }
0x3b: {  	_ = 	snop  }
0x3c: {  	p2 =	seq.s32 s10, $0x1;
	s10 =	sld [smem:$0x3FBA]  }
0x3d: {  	_ =	shalt  }
0x3e: {  	_ =	shalt  }
0x3f: {  	_ =	shalt  }
0x40: {  	_ =	shalt  }
0x41: {  	_ =	shalt  }
0x42: {  	_ =	shalt  }
0x43: {  	_ =	shalt  }
0x44: {  	_ =	shalt  }
0x45: {  	_ =	shalt  }
0x46: {  	_ =	shalt  }
0x47: {  	_ =	shalt  }
0x48: {  	_ =	shalt  }
0x49: {  	_ =	shalt  }
0x4a: {  	_ =	shalt  }
0x4b: {  	_ =	shalt  }
0x4c: {  	_ =	shalt  }
0x4d: {  	_ =	shalt  }
0x4e: {  	_ =	shalt  }
0x4f: {  	_ =	shalt  }
0x50: {  	_ =	shalt  }
0x51: {  	_ =	shalt  }
0x52: {  	_ =	shalt  }
0x53: {  	_ =	shalt  }
0x54: {  	_ =	shalt  }
0x55: {  	_ =	shalt  }
0x56: {  	_ =	shalt  }
0x57: {  	_ =	shalt  }
0x58: {  	_ =	shalt  }
0x59: {  	_ =	shalt  }
0x5a: {  	_ =	shalt  }
0x5b: {  	_ =	shalt  }
0x5c: {  	_ =	shalt  }
0x5d: {  	_ =	shalt  }
0x5e: {  	_ =	shalt  }
0x5f: {  	_ =	shalt  }
0x60: {  	_ =	shalt  }
0x61: {  	_ =	shalt  }
0x62: {  	_ =	shalt  }
0x63: {  	_ =	shalt  }
0x64: {  	_ =	shalt  }
0x65: {  	_ =	shalt  }
0x66: {  	_ =	shalt  }
0x67: {  	_ =	shalt  }
0x68: {  	_ =	shalt  }
0x69: {  	_ =	shalt  }
0x6a: {  	_ =	shalt  }
0x6b: {  	_ =	shalt  }
0x6c: {  	_ =	shalt  }
0x6d: {  	_ =	shalt  }
0x6e: {  	_ =	shalt  }
0x6f: {  	_ =	shalt  }
0x70: {  	_ =	shalt  }
0x71: {  	_ =	shalt  }
0x72: {  	_ =	shalt  }
0x73: {  	_ =	shalt  }
0x74: {  	_ =	shalt  }
0x75: {  	_ =	shalt  }
0x76: {  	_ =	shalt  }
0x77: {  	_ =	shalt  }
0x78: {  	_ =	shalt  }
0x79: {  	_ =	shalt  }
0x7a: {  	_ =	shalt  }
0x7b: {  	_ =	shalt  }
0x7c: {  	_ =	shalt  }
0x7d: {  	_ =	shalt  }
0x7e: {  	_ =	shalt  }
0x7f: {  	_ =	shalt  }
0x80: {  	_ =	shalt  }
0x81: {  	_ =	shalt  }
0x82: {  	_ =	shalt  }
0x83: {  	_ =	shalt  }
0x84: {  	_ =	shalt  }
0x85: {  	_ =	shalt  }
0x86: {  	_ =	shalt  }
0x87: {  	_ =	shalt  }
.Lfunc_end0:
.L_simem_size_0:
called_computation_lowered:
.L_overlay_start_0:
0x88: {  	s2 =	sld [smem:$0x3FD9]  }
0x89: {  	s3 =	sld [smem:$0x3FFE];
	_ =	sdelay $0x1  }
0x8a: {  	s1 =	srdreg.scid  }
0x8b: {  	s0 =	sand.u32 $0x1, s1  }
0x8c: {  	s17 =	sshll.u32 s0, $0xA;
	s2 =	sadd.s32 s3, s2  }
0x8d: {  	s2 =	sadd.s32 s2, s17  }
0x8e: {  	[smem:$0x3FC6] =	sst s2  }
0x8f: {  	_ = 	snop  }
0x90: {  	s2 =	sld [smem:$0x3FC9]  }
0x91: {  	s18 =	sld [smem:$0x3FD0];
	(tm) =	ssettm $0x1  }
0x92: {  	s4 =	sld [smem:$0x3FFB];
	_ =	sdelay $0x3  }
0x93: {  	_ =	strace s4  }
0x94: {  	s4 =	sld [smem:$0x3FFC];
	_ =	sdelay $0x3  }
0x95: {  	_ =	strace s4  }
0x96: {  	s4 =	sld [smem:$0x3FFD];
	_ =	sdelay $0x3  }
0x97: {  	_ =	strace s4  }
0x98: {  	_ =	strace $0x8FFFFFFF  }
0x99: {  	s19 =	sld [smem:$0x3FDB];
	_ =	sdelay $0x1  }
0x9a: {  	s5 =	simm.s32 $_scs_section_size  }
0x9b: {  	s6 =	simm.s32 $_size__tile_overlayer_lowered;
	s7 =	simm.s32 $_tile_overlayer_lowered  }
0x9c: {  	s22 =	simm.s32 $0x1BFF;
	s21 =	sshll.u32 s7, $0x1;
	s4 =	sadd.s32 s5, s19  }
0x9d: {  	s8 =	simm.s32 $0x0;
	s20 =	sshll.u32 s6, $0x1;
	s6 =	sadd.s32 s21, s4  }
0x9e: {  	[timem:s8], [sflag:s22] =	dma.local [hbm:s6], s20  }
0x9f: {  	_ =	swait.ge [sflag:s22], s20  }
0xa0: {  	s5 =	ssub.s32 $0x0, s20;
	[sflag:s22] =	ssyncset.done $0x0  }
0xa1: {  	[sflag:s22] =	ssyncadd.s32 s5;
	_ =	sdelay $0x1  }
0xa2: {  	s23 =	simm.s32 $0x1B8B  }
0xa3: {  	_ =	swait.ge [sflag:s23], $0x1  }
0xa4: {  	[sflag:s23] =	ssyncset.done $0x0  }
0xa5: {  	s25 =	simm.s32 $0x1B8E;
	s24 =	sld [smem:$0x3FFE];
	[sflag:s23] =	ssyncadd.s32 $0xFFFFFFFF  }
0xa6: {  	s26 =	simm.s32 $execute0_lowered;
	[smem:$0x3FD2] =	sst s25  }
0xa7: {  	s6 =	sshll.u32 s26, $0x1;
	_ =	strace $0x80000046;
	[dreg:$0x1] =	wrdreg $0xFFFFFFFF  }
0xa8: {  	s28 =	simm.s32 $_size_execute0_lowered;
	s4 =	sadd.s32 s4, s6;
	[dreg:$0x0] =	wrdreg $0x0  }
0xa9: {  	s6 =	sshll.u32 s28, $0x1;
	[dreg:$0x2] =	wrdreg s4  }
0xaa: {  	[dreg:$0x3] =	wrdreg s6  }
0xab: {  	[dreg:$0x4] =	wrdreg $0xC0  }
0xac: {  	_ =	task [dreg:s8], $0x5FFFF  }
0xad: {  	[dreg:$0x1] =	wrdreg $0xFFFFFFFF  }
0xae: {  	[dreg:$0x0] =	wrdreg $0x60  }
0xaf: {  	[dreg:$0x2] =	wrdreg s2  }
0xb0: {  	[dreg:$0x3] =	wrdreg s24  }
0xb1: {  	[dreg:$0x4] =	wrdreg s18  }
0xb2: {  	[dreg:$0x5] =	wrdreg $0x9  }
0xb3: {  	_ =	task.clear_ibuf [dreg:s8], $0x6FFFF;
	_ =	strace $0x90000046  }
0xb4: {  	s29 =	simm.s32 $0x9;
	_ =	strace $0x80000048  }
0xb5: {  	_ =	swait.ge [sflag:s29], $0x1  }
0xb6: {  	[sflag:s29] =	ssyncadd.s32 $0xFFFFFFFF  }
0xb7: {  	_ =	strace $0x90000048  }
0xb8: {  	_ =	sfence  }
0xb9: {  	s30 =	sld [smem:$0x0];
	_ =	sdelay $0x2  }
0xba: {  	s31 =	sshll.u32 s1, $0xD;
	s1 =	sshrl.u32 s1, $0x2  }
0xbb: {  	s3 =	sand.u32 $0x4000, s31;
	s1 =	sadd.s32 s1, s30  }
0xbc: {  	s0 =	sor.u32 s3, s0;
	s1 =	sshll.u32 s1, $0x11  }
0xbd: {  	s0 =	sor.u32 s1, s0  }
0xbe: {  	s0 =	sadd.s32 $0x8F2B, s0  }
0xbf: {  	[sflag:s0] =	ssyncadd.remote.s32 $0x1  }
0xc0: {  	_ =	sfence.sel $0xFFFF  }
0xc1: {  	[dreg:$0x0] =	wrdreg $0xFFFFFFFF;
	(pc) =	sbr.abs _section_cstart, $3  }
0xc2: {  	[dreg:$0x1] =	wrdreg $0xFFFFFFFF  }
0xc3: {  	_ =	task.clear_ibuf [dreg:s8], $0x2FFFF;
	_ =	strace $0x9FFFFFFF  }
0xc4: {  	(tm) =	ssettm $0x7FFFFFFF  }
0xc5: {  	_ =	shalt  }
tec
execute0_lowered:
.L_overlay_start_1:
0x0: {  	(tag) =	ssettag $0x1  }
0x1: {  	s1 =	rddreg [dreg:$0x0]  }
0x2: {  	s4 =	rddreg [dreg:$0x1];
	s0 =	srdreg.scid  }
0x3: {  	s14 =	rddreg [dreg:$0x2];
	s15 =	sand.u32 $0x1, s0  }
0x4: {  	s2 =	stileid.u32;
	s3 =	simm.s32 $0x0;
	s5 =	sshll.u32 s15, $0x6  }
0x5: {  	s0 =	rddreg [dreg:$0x3];
	s29 =	sshll.u32 s2, $0x7;
	s4 =	sadd.s32 s5, s4  }
0x6: {  	[smem:$0x7FF] =	sst s3;
	s4 =	sadd.s32 s29, s4  }
0x7: {  	_ =	strace $0x80000047;
	s5 =	sadd.s32 $0x400, s4;
	s4 =	simm.s32 $0x2  }
0x8: {  	[tilespmem:s3], [sflag:$0x2] =	stream.linear.gather [hbm4b:s5+s3], $0x200, $0x38;
	[tilespmem:$0x10200] =	vst v63  }
0x9: {  	_ =	swait.ge [sflag:s4], $0x200  }
0xa: {  	[sflag:s4] =	ssyncset.done $0x0  }
0xb: {  	s6 =	simm.s32 $0x80;
	s7 =	simm.s32 $0x200;
	[sflag:s4] =	ssyncadd.s32 $0xFFFFFE00  }
0xc: {  	[tilespmem:s7], [sflag:$0x1] =	stream.indirect.gather [hbm4b:s1+s6], $0x80, s3, s6, $0xb8;
	[tilespmem:$0x10200] =	vst v63  }
0xd: {  	s8 =	simm.s32 $0x4200  }
0xe: {  	[tilespmem:s8], [sflag:$0x1] =	stream.indirect.gather [hbm4b:s1+s6], $0x80, s6, s6, $0xb8;
	[tilespmem:$0x10200] =	vst v63  }
0xf: {  	s9 =	simm.s32 $0x100;
	s10 =	simm.s32 $0x8200  }
0x10: {  	[tilespmem:s10], [sflag:$0x1] =	stream.indirect.gather [hbm4b:s1+s6], $0x80, s9, s6, $0xb8;
	[tilespmem:$0x10200] =	vst v63  }
0x11: {  	s11 =	simm.s32 $0x180;
	s12 =	simm.s32 $0xC200;
	s13 =	simm.s32 $0x1  }
0x12: {  	[tilespmem:s12], [sflag:$0x1] =	stream.indirect.gather [hbm4b:s1+s6], $0x80, s11, s6, $0xb8;
	[tilespmem:$0x10200] =	vst v63  }
0x13: {  	_ =	swait.ge [sflag:s13], $0x4000  }
0x14: {  	[sflag:s13] =	ssyncset.done $0x0  }
0x15: {  	[sflag:s13] =	ssyncadd.s32 $0xFFFFC000  }
0x16: {  	_ =	swait.ge [sflag:s13], $0x4000  }
0x17: {  	[sflag:s13] =	ssyncset.done $0x0  }
0x18: {  	s16 =	ssub.s32 $0x2, s15;
	[sflag:s13] =	ssyncadd.s32 $0xFFFFC000  }
0x19: {  	s17 =	sshrl.u32 s16, $0x1;
	_ =	swait.ge [sflag:s13], $0x4000  }
0x1a: {  	s16 =	ssub.s32 s16, s17;
	[sflag:s13] =	ssyncset.done $0x0  }
0x1b: {  	s30 =	sshll.u32 s2, $0xE;
	s31 =	smax.u32 s16, $0x1;
	[sflag:s13] =	ssyncadd.s32 $0xFFFFC000  }
0x1c: {  	s15 =	sshll.u32 s15, $0xD;
	p0 =	sne.s32 s31, $0x1;
	_ =	swait.ge [sflag:s13], $0x4000  }
.Ltmp0:
0x1d: {  	s14 =	sadd.s32 s14, s15;
	[sflag:s13] =	ssyncset.done $0x0;
	(pc) =	sbr.rel @!p0 .LBB2_2-.Ltmp0, $4  }
0x1e: {  	s14 =	sadd.s32 s30, s14;
	[sflag:s13] =	ssyncadd.s32 $0xFFFFC000  }
0x1f: {  	[hbm4b:s14+s3] =	stream.linear.scatter [tilespmem:s7], [sflag:$0x2], $0x10000, $0x38;
	[tilespmem:$0x10200] =	vst v63  }
0x20: {  	_ =	swait.ge [sflag:s4], $0x10000  }
0x21: {  	s15 =	sadd.s32 $0xFFFFFFFF, s31;
	[sflag:s4] =	ssyncset.done $0x0  }
.LBB2_1:
0x22: {  	p0 =	sne.s32 s15, $0x1;
	s15 =	sadd.s32 $0xFFFFFFFF, s15;
	[sflag:s4] =	ssyncadd.s32 $0xFFFF0000  }
0x23: {  	[tilespmem:s3], [sflag:$0x2] =	stream.linear.gather [hbm4b:s5+s3], $0x200, $0x38;
	[tilespmem:$0x10200] =	vst v63  }
0x24: {  	_ =	swait.ge [sflag:s4], $0x200  }
0x25: {  	[sflag:s4] =	ssyncset.done $0x0  }
0x26: {  	[sflag:s4] =	ssyncadd.s32 $0xFFFFFE00  }
0x27: {  	[tilespmem:s7], [sflag:$0x1] =	stream.indirect.gather [hbm4b:s1+s6], $0x80, s3, s6, $0xb8;
	[tilespmem:$0x10200] =	vst v63  }
0x28: {  	_ = 	snop  }
0x29: {  	[tilespmem:s8], [sflag:$0x1] =	stream.indirect.gather [hbm4b:s1+s6], $0x80, s6, s6, $0xb8;
	[tilespmem:$0x10200] =	vst v63  }
0x2a: {  	_ = 	snop  }
0x2b: {  	[tilespmem:s10], [sflag:$0x1] =	stream.indirect.gather [hbm4b:s1+s6], $0x80, s9, s6, $0xb8;
	[tilespmem:$0x10200] =	vst v63  }
0x2c: {  	_ = 	snop  }
0x2d: {  	[tilespmem:s12], [sflag:$0x1] =	stream.indirect.gather [hbm4b:s1+s6], $0x80, s11, s6, $0xb8;
	[tilespmem:$0x10200] =	vst v63  }
0x2e: {  	_ =	swait.ge [sflag:s13], $0x4000  }
0x2f: {  	[sflag:s13] =	ssyncset.done $0x0  }
0x30: {  	[sflag:s13] =	ssyncadd.s32 $0xFFFFC000  }
0x31: {  	_ =	swait.ge [sflag:s13], $0x4000  }
0x32: {  	[sflag:s13] =	ssyncset.done $0x0  }
0x33: {  	[sflag:s13] =	ssyncadd.s32 $0xFFFFC000  }
0x34: {  	_ =	swait.ge [sflag:s13], $0x4000  }
0x35: {  	[sflag:s13] =	ssyncset.done $0x0  }
0x36: {  	[sflag:s13] =	ssyncadd.s32 $0xFFFFC000  }
0x37: {  	_ =	swait.ge [sflag:s13], $0x4000  }
.Ltmp1:
0x38: {  	[sflag:s13] =	ssyncset.done $0x0;
	(pc) =	sbr.rel @p0 .LBB2_1-.Ltmp1, $4  }
0x39: {  	[sflag:s13] =	ssyncadd.s32 $0xFFFFC000  }
0x3a: {  	[hbm4b:s14+s3] =	stream.linear.scatter [tilespmem:s7], [sflag:$0x2], $0x10000, $0x38;
	[tilespmem:$0x10200] =	vst v63  }
0x3b: {  	_ =	swait.ge [sflag:s4], $0x10000  }
0x3c: {  	[sflag:s4] =	ssyncset.done $0x0  }
.LBB2_2:
0x3d: {  	[sflag:s4] =	ssyncadd.s32 $0xFFFF0000  }
0x3e: {  	_ =	sfence.sel $0x180000  }
0x3f: {  	[bflag:$0x0] =	sbarrier.arrive $0xFFFF  }
0x40: {  	p0 =	sne.s32 s2, $0x0;
	_ =	strace $0x90000047  }
0x41: {  	s0 =	sadd.s32 @!p0 $0x100000, s0;
	[bflag:$0x2] =	sbarrier.arrive $0xFFFF  }
0x42: {  	[sflag:s0] =	ssyncadd.tile.s32 @!p0 $0x1;
	_ =	shalt  }
.Lfunc_end2:
_tile_overlayer_lowered:
.L_overlay_start_2:
0x43: {  	(tag) =	ssettag $0x2  }
0x44: {  	s0 =	rddreg [dreg:$0x0];
	s2 =	stileid.u32  }
0x45: {  	s1 =	rddreg [dreg:$0x1];
	p0 =	sne.s32 s2, $0x0  }
0x46: {  	s3 =	rddreg [dreg:$0x2];
	[bflag:$0x3] =	sbarrier.arrive $0xFFFF;
	s2 =	simm.s32 @!p0 $0x1C02  }
0x47: {  	[timem:s3], [sflag:s2] =	dma.local @!p0 [hbm:s0], s1  }
0x48: {  	s0 =	simm.s32 @!p0 $0x2  }
0x49: {  	_ =	swait.ge @!p0 [sflag:s0], s1  }
0x4a: {  	s1 =	ssub.s32 @!p0 $0x0, s1;
	[sflag:s0] =	ssyncset.done @!p0 $0x0  }
0x4b: {  	[sflag:s0] =	ssyncadd.s32 @!p0 s1  }
0x4c: {  	[bflag:$0x3] =	sbarrier.arrive $0xFFFF  }
0x4d: {  	_ =	shalt  }

</sc_bundles>
